<compile_context>
chip_gen: v7x
topology: tpu7x:2x2x1
jax: 0.10.2.dev20260603
libtpu: 0.0.44.dev20260713+nightly
codegen_flags: <defaults>
</compile_context>

<pallas_src>
import jax
import jax.numpy as jnp
from jax import lax
from jax.experimental import pallas as pl
from jax.experimental.pallas import tpu as pltpu
from jax.experimental.pallas import tpu_sc as plsc

CLS_ID = 1
B = 16
L = 4096
LP1 = L + 1
NLANE = 16
OUT_PAD = 33 * 128
NCHUNK = 4
CW = L // NCHUNK


def _body(values_hbm, lengths_hbm, out_hbm, nl_hbm,
          in_v, out_v, len_v, nl_v, sem_in, sem_out):
    row = lax.axis_index("s")
    in_handles = [
        pltpu.async_copy(
            values_hbm.at[row, pl.ds(0, CW)], in_v.at[pl.ds(0, CW)], sem_in
        )
    ]
    pltpu.sync_copy(lengths_hbm, len_v)
    lane = lax.iota(jnp.int32, NLANE)
    len_vec = len_v[...]
    my_len = jnp.sum(jnp.where(lane == row, len_vec, 0))

    for k in range(NCHUNK):
        if k + 1 < NCHUNK:
            off = (k + 1) * CW
            in_handles.append(
                pltpu.async_copy(
                    values_hbm.at[row, pl.ds(off, CW)],
                    in_v.at[pl.ds(off, CW)],
                    sem_in,
                )
            )
        in_handles[k].wait()

        @plsc.parallel_loop(k * CW, (k + 1) * CW, step=NLANE, unroll=8)
        def _shift(j):
            v = in_v[pl.ds(j, NLANE)]
            out_v[pl.ds(j + 1, NLANE)] = jnp.where(lane + j < my_len, v, 0)

        if k == 0:
            head = out_v[pl.ds(0, NLANE)]
            out_v[pl.ds(0, NLANE)] = jnp.where(lane == 0, CLS_ID, head)

    pltpu.sync_copy(out_v, out_hbm.at[row])

    @pl.when(row == 0)
    def _newlen():
        nl_v[...] = len_vec + 1
        pltpu.sync_copy(nl_v, nl_hbm)


_mesh = plsc.VectorSubcoreMesh(
    core_axis_name="c", subcore_axis_name="s", num_cores=1
)

_prepend = pl.kernel(
    _body,
    out_type=[
        jax.ShapeDtypeStruct((B, OUT_PAD), jnp.int32),
        jax.ShapeDtypeStruct((B,), jnp.int32),
    ],
    mesh=_mesh,
    compiler_params=pltpu.CompilerParams(
        needs_layout_passes=False, skip_device_barrier=True
    ),
    scratch_types=[
        pltpu.VMEM((L,), jnp.int32),
        pltpu.VMEM((OUT_PAD,), jnp.int32),
        pltpu.VMEM((NLANE,), jnp.int32),
        pltpu.VMEM((NLANE,), jnp.int32),
        pltpu.SemaphoreType.DMA,
        pltpu.SemaphoreType.DMA,
    ],
)


def kernel(values, lengths):
    out_pad, new_lengths = _prepend(
        values.astype(jnp.int32), lengths.astype(jnp.int32)
    )
    out = out_pad[:, :LP1].astype(values.dtype)
    return out, new_lengths.astype(lengths.dtype)

# --- scband reference (transcript-rebuilt; emitter-appended) ---
"""Pipeline reference for scband-prepend-cls-25434796327307 (READ-ONLY COPY).

The authoritative reference and input builder live on the scoring server;
editing this copy changes nothing except your own understanding.
"""

import jax, jax.numpy as jnp
import numpy as np

CLS = 1  # Vocab.special2index('<cls>')


def setup_inputs(seed: int = 0) -> dict:
    key = jax.random.key(seed)
    k1, k2 = jax.random.split(key)
    B, L = 16, 4096
    values = jax.random.randint(k1, (B, L), 0, 32000, dtype=jnp.int64)
    lengths = jax.random.randint(k2, (B,), 1, 4096, dtype=jnp.int64)
    return {"values": values, "lengths": lengths}


def reference(values, lengths):
    # Equivalent of: pad_packed_sequence -> prepend CLS per sequence -> pack_sequence.
    # We represent the (un/re)packed sequence in padded form (values, lengths),
    # which is the canonical dense equivalent of a PackedSequence.
    B, L = values.shape
    pos = jnp.arange(L, dtype=lengths.dtype)[None, :]
    mask = pos < lengths[:, None]
    # zero out padding (PackedSequence padding is 0 after pad_packed_sequence)
    vals = jnp.where(mask, values, 0)
    cls_col = jnp.full((B, 1), CLS, dtype=values.dtype)
    out = jnp.concatenate([cls_col, vals], axis=1)  # [B, L+1]
    new_lengths = lengths + 1
    return out, new_lengths

if __name__ == "__main__":
    import jax
    _d = setup_inputs()
    print(jax.jit(kernel)(*tuple(_d.values())))

</pallas_src>

<mosaic_0001>
#map = affine_map<(d0, d1) -> (0, 0)>
#map1 = affine_map<(d0, d1) -> (0)>
module attributes {stable_mosaic.version = 14 : i64} {
  func.func @_body(%arg0: i32, %arg1: i32, %arg2: memref<16x4096xi32, #tpu.memory_space<hbm>>, %arg3: memref<16xi32, #tpu.memory_space<hbm>>, %arg4: memref<16x4224xi32, #tpu.memory_space<hbm>>, %arg5: memref<16xi32, #tpu.memory_space<hbm>>, %arg6: memref<4096xi32, #tpu.memory_space<vmem>>, %arg7: memref<4224xi32, #tpu.memory_space<vmem>>, %arg8: memref<16xi32, #tpu.memory_space<vmem>>, %arg9: memref<16xi32, #tpu.memory_space<vmem>>, %arg10: memref<!tpu.dma_semaphore, #tpu.memory_space<semaphore_mem>>, %arg11: memref<!tpu.dma_semaphore, #tpu.memory_space<semaphore_mem>>) attributes {dimension_semantics = [#tpu.dimension_semantics<core_parallel>, #tpu.dimension_semantics<subcore_parallel>], iteration_bounds = array<i64: 1, 16>, scalar_prefetch = 0 : i64, scratch_operands = 6 : i64, tpu.core_type = #tpu.core_type<sc_vector_subcore>, window_params = [{transform_indices = #map}, {transform_indices = #map1}, {transform_indices = #map}, {transform_indices = #map1}]} {
    %dma_start3A = arith.constant 0 : i32
    %dma_start3A_0 = tpu.memref_slice %arg6[%dma_start3A] : memref<4096xi32, #tpu.memory_space<vmem>> -> memref<1024xi32, #tpu.memory_space<vmem>>
    %dma_start3A_1 = arith.constant 0 : i32
    %dma_start3A_2 = tpu.memref_slice %arg2[%arg1, %dma_start3A_1] : memref<16x4096xi32, #tpu.memory_space<hbm>> -> memref<1x1024xi32, #tpu.memory_space<hbm>>
    %dma_start3A_3 = tpu.memref_squeeze %dma_start3A_2 : memref<1x1024xi32, #tpu.memory_space<hbm>> -> memref<1024xi32, #tpu.memory_space<hbm>>
    %dma_start3A_4 = arith.constant 0 : i32
    %dma_start3A_5 = tpu.memref_slice %arg6[%dma_start3A_4] : memref<4096xi32, #tpu.memory_space<vmem>> -> memref<1024xi32, #tpu.memory_space<vmem>>
    %dma_start3A_6 = arith.constant 0 : i32
    %dma_start3A_7 = tpu.memref_slice %arg2[%arg1, %dma_start3A_6] : memref<16x4096xi32, #tpu.memory_space<hbm>> -> memref<1x1024xi32, #tpu.memory_space<hbm>>
    %dma_start3A_8 = tpu.memref_squeeze %dma_start3A_7 : memref<1x1024xi32, #tpu.memory_space<hbm>> -> memref<1024xi32, #tpu.memory_space<hbm>>
    tpu.enqueue_dma source(%dma_start3A_8 : memref<1024xi32, #tpu.memory_space<hbm>>) target(%dma_start3A_5 : memref<1024xi32, #tpu.memory_space<vmem>>) target_semaphore(%arg10 : memref<!tpu.dma_semaphore, #tpu.memory_space<semaphore_mem>>)
    "tpu.region"() ({
      %run_scoped3A = tpu.sem_alloc : memref<!tpu.dma_semaphore, #tpu.memory_space<semaphore_mem>>
      tpu.enqueue_dma source(%arg3 : memref<16xi32, #tpu.memory_space<hbm>>) target(%arg8 : memref<16xi32, #tpu.memory_space<vmem>>) target_semaphore(%run_scoped3A : memref<!tpu.dma_semaphore, #tpu.memory_space<semaphore_mem>>)
      tpu.wait_dma2 semaphore(%run_scoped3A : memref<!tpu.dma_semaphore, #tpu.memory_space<semaphore_mem>>) src(%arg3 : memref<16xi32, #tpu.memory_space<hbm>>) dst(%arg8 : memref<16xi32, #tpu.memory_space<vmem>>)
      tpu.yield
    }) : () -> ()
    %iota3A = tpu.iota {dimensions = array<i32: 0>} : vector<16xi32>
    %get3A = arith.constant 0 : index
    %get3A_9 = tpu.vector_load %arg8[%get3A] {strides = array<i32>} : memref<16xi32, #tpu.memory_space<vmem>>, vector<16xi32>,
    %eq3A = vector.broadcast %arg1 : i32 to vector<16xi32>
    %eq3A_10 = arith.cmpi eq, %iota3A, %eq3A : vector<16xi32>
    %jit3A = arith.constant 0 : i32
    %broadcast_in_dim3A = vector.broadcast %jit3A : i32 to vector<16xi32>
    %select_n3A = arith.select %eq3A_10, %get3A_9, %broadcast_in_dim3A : vector<16xi1>, vector<16xi32>
    %reduce_sum3A = arith.constant true
    %reduce_sum3A_11 = vector.broadcast %reduce_sum3A : i1 to vector<16xi1>
    %reduce_sum3A_12 = tpu.scan <sum>, %select_n3A masked %reduce_sum3A_11 : vector<16xi32>, vector<16xi1> -> vector<16xi32>
    %reduce_sum3A_13 = vector.extract %reduce_sum3A_12[15] : i32 from vector<16xi32>
    %dma_start3A_14 = arith.constant 1024 : i32
    %dma_start3A_15 = tpu.memref_slice %arg6[%dma_start3A_14] : memref<4096xi32, #tpu.memory_space<vmem>> -> memref<1024xi32, #tpu.memory_space<vmem>>
    %dma_start3A_16 = arith.constant 1024 : i32
    %dma_start3A_17 = tpu.memref_slice %arg2[%arg1, %dma_start3A_16] : memref<16x4096xi32, #tpu.memory_space<hbm>> -> memref<1x1024xi32, #tpu.memory_space<hbm>>
    %dma_start3A_18 = tpu.memref_squeeze %dma_start3A_17 : memref<1x1024xi32, #tpu.memory_space<hbm>> -> memref<1024xi32, #tpu.memory_space<hbm>>
    %dma_start3A_19 = arith.constant 1024 : i32
    %dma_start3A_20 = tpu.memref_slice %arg6[%dma_start3A_19] : memref<4096xi32, #tpu.memory_space<vmem>> -> memref<1024xi32, #tpu.memory_space<vmem>>
    %dma_start3A_21 = arith.constant 1024 : i32
    %dma_start3A_22 = tpu.memref_slice %arg2[%arg1, %dma_start3A_21] : memref<16x4096xi32, #tpu.memory_space<hbm>> -> memref<1x1024xi32, #tpu.memory_space<hbm>>
    %dma_start3A_23 = tpu.memref_squeeze %dma_start3A_22 : memref<1x1024xi32, #tpu.memory_space<hbm>> -> memref<1024xi32, #tpu.memory_space<hbm>>
    tpu.enqueue_dma source(%dma_start3A_23 : memref<1024xi32, #tpu.memory_space<hbm>>) target(%dma_start3A_20 : memref<1024xi32, #tpu.memory_space<vmem>>) target_semaphore(%arg10 : memref<!tpu.dma_semaphore, #tpu.memory_space<semaphore_mem>>)
    %dma_wait3A = arith.constant 0 : i32
    %dma_wait3A_24 = tpu.memref_slice %arg6[%dma_wait3A] : memref<4096xi32, #tpu.memory_space<vmem>> -> memref<1024xi32, #tpu.memory_space<vmem>>
    %dma_wait3A_25 = arith.constant 0 : i32
    %dma_wait3A_26 = tpu.memref_slice %arg2[%arg1, %dma_wait3A_25] : memref<16x4096xi32, #tpu.memory_space<hbm>> -> memref<1x1024xi32, #tpu.memory_space<hbm>>
    %dma_wait3A_27 = tpu.memref_squeeze %dma_wait3A_26 : memref<1x1024xi32, #tpu.memory_space<hbm>> -> memref<1024xi32, #tpu.memory_space<hbm>>
    %dma_wait3A_28 = arith.constant 0 : i32
    %dma_wait3A_29 = tpu.memref_slice %arg6[%dma_wait3A_28] : memref<4096xi32, #tpu.memory_space<vmem>> -> memref<1024xi32, #tpu.memory_space<vmem>>
    %dma_wait3A_30 = arith.constant 0 : i32
    %dma_wait3A_31 = tpu.memref_slice %arg2[%arg1, %dma_wait3A_30] : memref<16x4096xi32, #tpu.memory_space<hbm>> -> memref<1x1024xi32, #tpu.memory_space<hbm>>
    %dma_wait3A_32 = tpu.memref_squeeze %dma_wait3A_31 : memref<1x1024xi32, #tpu.memory_space<hbm>> -> memref<1024xi32, #tpu.memory_space<hbm>>
    tpu.wait_dma2 semaphore(%arg10 : memref<!tpu.dma_semaphore, #tpu.memory_space<semaphore_mem>>) src(%dma_wait3A_32 : memref<1024xi32, #tpu.memory_space<hbm>>) dst(%dma_wait3A_29 : memref<1024xi32, #tpu.memory_space<vmem>>)
    %parallel_loop3A = arith.constant 0 : i32
    %parallel_loop3A_33 = arith.constant 1024 : i32
    %parallel_loop3A_34 = arith.constant 16 : i32
    scf.for %parallel_loop3A_106 = %parallel_loop3A to %parallel_loop3A_33 step %parallel_loop3A_34  : i32 {
      %parallel_loop3A_107 = arith.index_cast %parallel_loop3A_106 : i32 to index
      %parallel_loop3A_108 = tpu.vector_load %arg6[%parallel_loop3A_107] {strides = array<i32>} : memref<4096xi32, #tpu.memory_space<vmem>>, vector<16xi32>,
      %parallel_loop3A_109 = vector.broadcast %parallel_loop3A_106 : i32 to vector<16xi32>
      %parallel_loop3A_110 = arith.addi %iota3A, %parallel_loop3A_109 : vector<16xi32>
      %parallel_loop3A_111 = vector.broadcast %reduce_sum3A_13 : i32 to vector<16xi32>
      %parallel_loop3A_112 = arith.cmpi slt, %parallel_loop3A_110, %parallel_loop3A_111 : vector<16xi32>
      %parallel_loop3A_113 = arith.constant 0 : i32
      %parallel_loop3A_114 = vector.broadcast %parallel_loop3A_113 : i32 to vector<16xi32>
      %parallel_loop3A_115 = arith.select %parallel_loop3A_112, %parallel_loop3A_108, %parallel_loop3A_114 : vector<16xi1>, vector<16xi32>
      %parallel_loop3A_116 = arith.constant 1 : i32
      %parallel_loop3A_117 = arith.addi %parallel_loop3A_106, %parallel_loop3A_116 : i32
      %parallel_loop3A_118 = arith.index_cast %parallel_loop3A_117 : i32 to index
      %parallel_loop3A_119 = tpu.vector_load %arg7[%parallel_loop3A_118] {strides = array<i32>} : memref<4224xi32, #tpu.memory_space<vmem>>, vector<16xi32>,
      tpu.vector_store %arg7[%parallel_loop3A_118], %parallel_loop3A_115 {strides = array<i32>} : memref<4224xi32, #tpu.memory_space<vmem>>, vector<16xi32>,
    } {sc.loop_unroll_factor = 8 : i64, sc.parallel_access}
    %get3A_35 = arith.constant 0 : index
    %get3A_36 = tpu.vector_load %arg7[%get3A_35] {strides = array<i32>} : memref<4224xi32, #tpu.memory_space<vmem>>, vector<16xi32>,
    %eq3A_37 = arith.constant 0 : i32
    %eq3A_38 = vector.broadcast %eq3A_37 : i32 to vector<16xi32>
    %eq3A_39 = arith.cmpi eq, %iota3A, %eq3A_38 : vector<16xi32>
    %jit3A_40 = arith.constant 1 : i32
    %broadcast_in_dim3A_41 = vector.broadcast %jit3A_40 : i32 to vector<16xi32>
    %select_n3A_42 = arith.select %eq3A_39, %broadcast_in_dim3A_41, %get3A_36 : vector<16xi1>, vector<16xi32>
    %swap3A = arith.constant 0 : index
    %swap3A_43 = tpu.vector_load %arg7[%swap3A] {strides = array<i32>} : memref<4224xi32, #tpu.memory_space<vmem>>, vector<16xi32>,
    tpu.vector_store %arg7[%swap3A], %select_n3A_42 {strides = array<i32>} : memref<4224xi32, #tpu.memory_space<vmem>>, vector<16xi32>,
    %dma_start3A_44 = arith.constant 2048 : i32
    %dma_start3A_45 = tpu.memref_slice %arg6[%dma_start3A_44] : memref<4096xi32, #tpu.memory_space<vmem>> -> memref<1024xi32, #tpu.memory_space<vmem>>
    %dma_start3A_46 = arith.constant 2048 : i32
    %dma_start3A_47 = tpu.memref_slice %arg2[%arg1, %dma_start3A_46] : memref<16x4096xi32, #tpu.memory_space<hbm>> -> memref<1x1024xi32, #tpu.memory_space<hbm>>
    %dma_start3A_48 = tpu.memref_squeeze %dma_start3A_47 : memref<1x1024xi32, #tpu.memory_space<hbm>> -> memref<1024xi32, #tpu.memory_space<hbm>>
    %dma_start3A_49 = arith.constant 2048 : i32
    %dma_start3A_50 = tpu.memref_slice %arg6[%dma_start3A_49] : memref<4096xi32, #tpu.memory_space<vmem>> -> memref<1024xi32, #tpu.memory_space<vmem>>
    %dma_start3A_51 = arith.constant 2048 : i32
    %dma_start3A_52 = tpu.memref_slice %arg2[%arg1, %dma_start3A_51] : memref<16x4096xi32, #tpu.memory_space<hbm>> -> memref<1x1024xi32, #tpu.memory_space<hbm>>
    %dma_start3A_53 = tpu.memref_squeeze %dma_start3A_52 : memref<1x1024xi32, #tpu.memory_space<hbm>> -> memref<1024xi32, #tpu.memory_space<hbm>>
    tpu.enqueue_dma source(%dma_start3A_53 : memref<1024xi32, #tpu.memory_space<hbm>>) target(%dma_start3A_50 : memref<1024xi32, #tpu.memory_space<vmem>>) target_semaphore(%arg10 : memref<!tpu.dma_semaphore, #tpu.memory_space<semaphore_mem>>)
    %dma_wait3A_54 = arith.constant 1024 : i32
    %dma_wait3A_55 = tpu.memref_slice %arg6[%dma_wait3A_54] : memref<4096xi32, #tpu.memory_space<vmem>> -> memref<1024xi32, #tpu.memory_space<vmem>>
    %dma_wait3A_56 = arith.constant 1024 : i32
    %dma_wait3A_57 = tpu.memref_slice %arg2[%arg1, %dma_wait3A_56] : memref<16x4096xi32, #tpu.memory_space<hbm>> -> memref<1x1024xi32, #tpu.memory_space<hbm>>
    %dma_wait3A_58 = tpu.memref_squeeze %dma_wait3A_57 : memref<1x1024xi32, #tpu.memory_space<hbm>> -> memref<1024xi32, #tpu.memory_space<hbm>>
    %dma_wait3A_59 = arith.constant 1024 : i32
    %dma_wait3A_60 = tpu.memref_slice %arg6[%dma_wait3A_59] : memref<4096xi32, #tpu.memory_space<vmem>> -> memref<1024xi32, #tpu.memory_space<vmem>>
    %dma_wait3A_61 = arith.constant 1024 : i32
    %dma_wait3A_62 = tpu.memref_slice %arg2[%arg1, %dma_wait3A_61] : memref<16x4096xi32, #tpu.memory_space<hbm>> -> memref<1x1024xi32, #tpu.memory_space<hbm>>
    %dma_wait3A_63 = tpu.memref_squeeze %dma_wait3A_62 : memref<1x1024xi32, #tpu.memory_space<hbm>> -> memref<1024xi32, #tpu.memory_space<hbm>>
    tpu.wait_dma2 semaphore(%arg10 : memref<!tpu.dma_semaphore, #tpu.memory_space<semaphore_mem>>) src(%dma_wait3A_63 : memref<1024xi32, #tpu.memory_space<hbm>>) dst(%dma_wait3A_60 : memref<1024xi32, #tpu.memory_space<vmem>>)
    %parallel_loop3A_64 = arith.constant 1024 : i32
    %parallel_loop3A_65 = arith.constant 2048 : i32
    %parallel_loop3A_66 = arith.constant 16 : i32
    scf.for %parallel_loop3A_106 = %parallel_loop3A_64 to %parallel_loop3A_65 step %parallel_loop3A_66  : i32 {
      %parallel_loop3A_107 = arith.index_cast %parallel_loop3A_106 : i32 to index
      %parallel_loop3A_108 = tpu.vector_load %arg6[%parallel_loop3A_107] {strides = array<i32>} : memref<4096xi32, #tpu.memory_space<vmem>>, vector<16xi32>,
      %parallel_loop3A_109 = vector.broadcast %parallel_loop3A_106 : i32 to vector<16xi32>
      %parallel_loop3A_110 = arith.addi %iota3A, %parallel_loop3A_109 : vector<16xi32>
      %parallel_loop3A_111 = vector.broadcast %reduce_sum3A_13 : i32 to vector<16xi32>
      %parallel_loop3A_112 = arith.cmpi slt, %parallel_loop3A_110, %parallel_loop3A_111 : vector<16xi32>
      %parallel_loop3A_113 = arith.constant 0 : i32
      %parallel_loop3A_114 = vector.broadcast %parallel_loop3A_113 : i32 to vector<16xi32>
      %parallel_loop3A_115 = arith.select %parallel_loop3A_112, %parallel_loop3A_108, %parallel_loop3A_114 : vector<16xi1>, vector<16xi32>
      %parallel_loop3A_116 = arith.constant 1 : i32
      %parallel_loop3A_117 = arith.addi %parallel_loop3A_106, %parallel_loop3A_116 : i32
      %parallel_loop3A_118 = arith.index_cast %parallel_loop3A_117 : i32 to index
      %parallel_loop3A_119 = tpu.vector_load %arg7[%parallel_loop3A_118] {strides = array<i32>} : memref<4224xi32, #tpu.memory_space<vmem>>, vector<16xi32>,
      tpu.vector_store %arg7[%parallel_loop3A_118], %parallel_loop3A_115 {strides = array<i32>} : memref<4224xi32, #tpu.memory_space<vmem>>, vector<16xi32>,
    } {sc.loop_unroll_factor = 8 : i64, sc.parallel_access}
    %dma_start3A_67 = arith.constant 3072 : i32
    %dma_start3A_68 = tpu.memref_slice %arg6[%dma_start3A_67] : memref<4096xi32, #tpu.memory_space<vmem>> -> memref<1024xi32, #tpu.memory_space<vmem>>
    %dma_start3A_69 = arith.constant 3072 : i32
    %dma_start3A_70 = tpu.memref_slice %arg2[%arg1, %dma_start3A_69] : memref<16x4096xi32, #tpu.memory_space<hbm>> -> memref<1x1024xi32, #tpu.memory_space<hbm>>
    %dma_start3A_71 = tpu.memref_squeeze %dma_start3A_70 : memref<1x1024xi32, #tpu.memory_space<hbm>> -> memref<1024xi32, #tpu.memory_space<hbm>>
    %dma_start3A_72 = arith.constant 3072 : i32
    %dma_start3A_73 = tpu.memref_slice %arg6[%dma_start3A_72] : memref<4096xi32, #tpu.memory_space<vmem>> -> memref<1024xi32, #tpu.memory_space<vmem>>
    %dma_start3A_74 = arith.constant 3072 : i32
    %dma_start3A_75 = tpu.memref_slice %arg2[%arg1, %dma_start3A_74] : memref<16x4096xi32, #tpu.memory_space<hbm>> -> memref<1x1024xi32, #tpu.memory_space<hbm>>
    %dma_start3A_76 = tpu.memref_squeeze %dma_start3A_75 : memref<1x1024xi32, #tpu.memory_space<hbm>> -> memref<1024xi32, #tpu.memory_space<hbm>>
    tpu.enqueue_dma source(%dma_start3A_76 : memref<1024xi32, #tpu.memory_space<hbm>>) target(%dma_start3A_73 : memref<1024xi32, #tpu.memory_space<vmem>>) target_semaphore(%arg10 : memref<!tpu.dma_semaphore, #tpu.memory_space<semaphore_mem>>)
    %dma_wait3A_77 = arith.constant 2048 : i32
    %dma_wait3A_78 = tpu.memref_slice %arg6[%dma_wait3A_77] : memref<4096xi32, #tpu.memory_space<vmem>> -> memref<1024xi32, #tpu.memory_space<vmem>>
    %dma_wait3A_79 = arith.constant 2048 : i32
    %dma_wait3A_80 = tpu.memref_slice %arg2[%arg1, %dma_wait3A_79] : memref<16x4096xi32, #tpu.memory_space<hbm>> -> memref<1x1024xi32, #tpu.memory_space<hbm>>
    %dma_wait3A_81 = tpu.memref_squeeze %dma_wait3A_80 : memref<1x1024xi32, #tpu.memory_space<hbm>> -> memref<1024xi32, #tpu.memory_space<hbm>>
    %dma_wait3A_82 = arith.constant 2048 : i32
    %dma_wait3A_83 = tpu.memref_slice %arg6[%dma_wait3A_82] : memref<4096xi32, #tpu.memory_space<vmem>> -> memref<1024xi32, #tpu.memory_space<vmem>>
    %dma_wait3A_84 = arith.constant 2048 : i32
    %dma_wait3A_85 = tpu.memref_slice %arg2[%arg1, %dma_wait3A_84] : memref<16x4096xi32, #tpu.memory_space<hbm>> -> memref<1x1024xi32, #tpu.memory_space<hbm>>
    %dma_wait3A_86 = tpu.memref_squeeze %dma_wait3A_85 : memref<1x1024xi32, #tpu.memory_space<hbm>> -> memref<1024xi32, #tpu.memory_space<hbm>>
    tpu.wait_dma2 semaphore(%arg10 : memref<!tpu.dma_semaphore, #tpu.memory_space<semaphore_mem>>) src(%dma_wait3A_86 : memref<1024xi32, #tpu.memory_space<hbm>>) dst(%dma_wait3A_83 : memref<1024xi32, #tpu.memory_space<vmem>>)
    %parallel_loop3A_87 = arith.constant 2048 : i32
    %parallel_loop3A_88 = arith.constant 3072 : i32
    %parallel_loop3A_89 = arith.constant 16 : i32
    scf.for %parallel_loop3A_106 = %parallel_loop3A_87 to %parallel_loop3A_88 step %parallel_loop3A_89  : i32 {
      %parallel_loop3A_107 = arith.index_cast %parallel_loop3A_106 : i32 to index
      %parallel_loop3A_108 = tpu.vector_load %arg6[%parallel_loop3A_107] {strides = array<i32>} : memref<4096xi32, #tpu.memory_space<vmem>>, vector<16xi32>,
      %parallel_loop3A_109 = vector.broadcast %parallel_loop3A_106 : i32 to vector<16xi32>
      %parallel_loop3A_110 = arith.addi %iota3A, %parallel_loop3A_109 : vector<16xi32>
      %parallel_loop3A_111 = vector.broadcast %reduce_sum3A_13 : i32 to vector<16xi32>
      %parallel_loop3A_112 = arith.cmpi slt, %parallel_loop3A_110, %parallel_loop3A_111 : vector<16xi32>
      %parallel_loop3A_113 = arith.constant 0 : i32
      %parallel_loop3A_114 = vector.broadcast %parallel_loop3A_113 : i32 to vector<16xi32>
      %parallel_loop3A_115 = arith.select %parallel_loop3A_112, %parallel_loop3A_108, %parallel_loop3A_114 : vector<16xi1>, vector<16xi32>
      %parallel_loop3A_116 = arith.constant 1 : i32
      %parallel_loop3A_117 = arith.addi %parallel_loop3A_106, %parallel_loop3A_116 : i32
      %parallel_loop3A_118 = arith.index_cast %parallel_loop3A_117 : i32 to index
      %parallel_loop3A_119 = tpu.vector_load %arg7[%parallel_loop3A_118] {strides = array<i32>} : memref<4224xi32, #tpu.memory_space<vmem>>, vector<16xi32>,
      tpu.vector_store %arg7[%parallel_loop3A_118], %parallel_loop3A_115 {strides = array<i32>} : memref<4224xi32, #tpu.memory_space<vmem>>, vector<16xi32>,
    } {sc.loop_unroll_factor = 8 : i64, sc.parallel_access}
    %dma_wait3A_90 = arith.constant 3072 : i32
    %dma_wait3A_91 = tpu.memref_slice %arg6[%dma_wait3A_90] : memref<4096xi32, #tpu.memory_space<vmem>> -> memref<1024xi32, #tpu.memory_space<vmem>>
    %dma_wait3A_92 = arith.constant 3072 : i32
    %dma_wait3A_93 = tpu.memref_slice %arg2[%arg1, %dma_wait3A_92] : memref<16x4096xi32, #tpu.memory_space<hbm>> -> memref<1x1024xi32, #tpu.memory_space<hbm>>
    %dma_wait3A_94 = tpu.memref_squeeze %dma_wait3A_93 : memref<1x1024xi32, #tpu.memory_space<hbm>> -> memref<1024xi32, #tpu.memory_space<hbm>>
    %dma_wait3A_95 = arith.constant 3072 : i32
    %dma_wait3A_96 = tpu.memref_slice %arg6[%dma_wait3A_95] : memref<4096xi32, #tpu.memory_space<vmem>> -> memref<1024xi32, #tpu.memory_space<vmem>>
    %dma_wait3A_97 = arith.constant 3072 : i32
    %dma_wait3A_98 = tpu.memref_slice %arg2[%arg1, %dma_wait3A_97] : memref<16x4096xi32, #tpu.memory_space<hbm>> -> memref<1x1024xi32, #tpu.memory_space<hbm>>
    %dma_wait3A_99 = tpu.memref_squeeze %dma_wait3A_98 : memref<1x1024xi32, #tpu.memory_space<hbm>> -> memref<1024xi32, #tpu.memory_space<hbm>>
    tpu.wait_dma2 semaphore(%arg10 : memref<!tpu.dma_semaphore, #tpu.memory_space<semaphore_mem>>) src(%dma_wait3A_99 : memref<1024xi32, #tpu.memory_space<hbm>>) dst(%dma_wait3A_96 : memref<1024xi32, #tpu.memory_space<vmem>>)
    %parallel_loop3A_100 = arith.constant 3072 : i32
    %parallel_loop3A_101 = arith.constant 4096 : i32
    %parallel_loop3A_102 = arith.constant 16 : i32
    scf.for %parallel_loop3A_106 = %parallel_loop3A_100 to %parallel_loop3A_101 step %parallel_loop3A_102  : i32 {
      %parallel_loop3A_107 = arith.index_cast %parallel_loop3A_106 : i32 to index
      %parallel_loop3A_108 = tpu.vector_load %arg6[%parallel_loop3A_107] {strides = array<i32>} : memref<4096xi32, #tpu.memory_space<vmem>>, vector<16xi32>,
      %parallel_loop3A_109 = vector.broadcast %parallel_loop3A_106 : i32 to vector<16xi32>
      %parallel_loop3A_110 = arith.addi %iota3A, %parallel_loop3A_109 : vector<16xi32>
      %parallel_loop3A_111 = vector.broadcast %reduce_sum3A_13 : i32 to vector<16xi32>
      %parallel_loop3A_112 = arith.cmpi slt, %parallel_loop3A_110, %parallel_loop3A_111 : vector<16xi32>
      %parallel_loop3A_113 = arith.constant 0 : i32
      %parallel_loop3A_114 = vector.broadcast %parallel_loop3A_113 : i32 to vector<16xi32>
      %parallel_loop3A_115 = arith.select %parallel_loop3A_112, %parallel_loop3A_108, %parallel_loop3A_114 : vector<16xi1>, vector<16xi32>
      %parallel_loop3A_116 = arith.constant 1 : i32
      %parallel_loop3A_117 = arith.addi %parallel_loop3A_106, %parallel_loop3A_116 : i32
      %parallel_loop3A_118 = arith.index_cast %parallel_loop3A_117 : i32 to index
      %parallel_loop3A_119 = tpu.vector_load %arg7[%parallel_loop3A_118] {strides = array<i32>} : memref<4224xi32, #tpu.memory_space<vmem>>, vector<16xi32>,
      tpu.vector_store %arg7[%parallel_loop3A_118], %parallel_loop3A_115 {strides = array<i32>} : memref<4224xi32, #tpu.memory_space<vmem>>, vector<16xi32>,
    } {sc.loop_unroll_factor = 8 : i64, sc.parallel_access}
    "tpu.region"() ({
      %run_scoped3A = tpu.sem_alloc : memref<!tpu.dma_semaphore, #tpu.memory_space<semaphore_mem>>
      %dma_start3A_106 = arith.constant 0 : i32
      %dma_start3A_107 = tpu.memref_slice %arg4[%arg1, %dma_start3A_106] : memref<16x4224xi32, #tpu.memory_space<hbm>> -> memref<1x4224xi32, #tpu.memory_space<hbm>>
      %dma_start3A_108 = tpu.memref_squeeze %dma_start3A_107 : memref<1x4224xi32, #tpu.memory_space<hbm>> -> memref<4224xi32, #tpu.memory_space<hbm>>
      %dma_start3A_109 = arith.constant 0 : i32
      %dma_start3A_110 = tpu.memref_slice %arg4[%arg1, %dma_start3A_109] : memref<16x4224xi32, #tpu.memory_space<hbm>> -> memref<1x4224xi32, #tpu.memory_space<hbm>>
      %dma_start3A_111 = tpu.memref_squeeze %dma_start3A_110 : memref<1x4224xi32, #tpu.memory_space<hbm>> -> memref<4224xi32, #tpu.memory_space<hbm>>
      tpu.enqueue_dma source(%arg7 : memref<4224xi32, #tpu.memory_space<vmem>>) target(%dma_start3A_111 : memref<4224xi32, #tpu.memory_space<hbm>>) target_semaphore(%run_scoped3A : memref<!tpu.dma_semaphore, #tpu.memory_space<semaphore_mem>>)
      %dma_wait3A_112 = arith.constant 0 : i32
      %dma_wait3A_113 = tpu.memref_slice %arg4[%arg1, %dma_wait3A_112] : memref<16x4224xi32, #tpu.memory_space<hbm>> -> memref<1x4224xi32, #tpu.memory_space<hbm>>
      %dma_wait3A_114 = tpu.memref_squeeze %dma_wait3A_113 : memref<1x4224xi32, #tpu.memory_space<hbm>> -> memref<4224xi32, #tpu.memory_space<hbm>>
      %dma_wait3A_115 = arith.constant 0 : i32
      %dma_wait3A_116 = tpu.memref_slice %arg4[%arg1, %dma_wait3A_115] : memref<16x4224xi32, #tpu.memory_space<hbm>> -> memref<1x4224xi32, #tpu.memory_space<hbm>>
      %dma_wait3A_117 = tpu.memref_squeeze %dma_wait3A_116 : memref<1x4224xi32, #tpu.memory_space<hbm>> -> memref<4224xi32, #tpu.memory_space<hbm>>
      tpu.wait_dma2 semaphore(%run_scoped3A : memref<!tpu.dma_semaphore, #tpu.memory_space<semaphore_mem>>) src(%arg7 : memref<4224xi32, #tpu.memory_space<vmem>>) dst(%dma_wait3A_117 : memref<4224xi32, #tpu.memory_space<hbm>>)
      tpu.yield
    }) : () -> ()
    %eq3A_103 = arith.constant 0 : i32
    %eq3A_104 = arith.cmpi eq, %arg1, %eq3A_103 : i32
    %convert_element_type3A = arith.extui %eq3A_104 : i1 to i32
    %cond3A = arith.constant 0 : i32
    %cond3A_105 = arith.cmpi ne, %convert_element_type3A, %cond3A : i32
    scf.if %cond3A_105 {
      %add3A = arith.constant 1 : i32
      %add3A_106 = vector.broadcast %add3A : i32 to vector<16xi32>
      %add3A_107 = arith.addi %get3A_9, %add3A_106 : vector<16xi32>
      %swap3A_108 = arith.constant 0 : index
      %swap3A_109 = tpu.vector_load %arg9[%swap3A_108] {strides = array<i32>} : memref<16xi32, #tpu.memory_space<vmem>>, vector<16xi32>,
      tpu.vector_store %arg9[%swap3A_108], %add3A_107 {strides = array<i32>} : memref<16xi32, #tpu.memory_space<vmem>>, vector<16xi32>,
      "tpu.region"() ({
        %run_scoped3A = tpu.sem_alloc : memref<!tpu.dma_semaphore, #tpu.memory_space<semaphore_mem>>
        tpu.enqueue_dma source(%arg9 : memref<16xi32, #tpu.memory_space<vmem>>) target(%arg5 : memref<16xi32, #tpu.memory_space<hbm>>) target_semaphore(%run_scoped3A : memref<!tpu.dma_semaphore, #tpu.memory_space<semaphore_mem>>)
        tpu.wait_dma2 semaphore(%run_scoped3A : memref<!tpu.dma_semaphore, #tpu.memory_space<semaphore_mem>>) src(%arg9 : memref<16xi32, #tpu.memory_space<vmem>>) dst(%arg5 : memref<16xi32, #tpu.memory_space<hbm>>)
        tpu.yield
      }) : () -> ()
    } else {
    }
    return
  }
}

</mosaic_0001>

<sc_bundles>
// kernel: kernel.3.cloned.1.call-start
scs
__scs_entry_jumppad:
0x0: {  	(pc) =	sbr.rel $0x88, $3  }
0x1: {  	(tag) =	ssettag $0x0;
	lr =	simm.s32 $0x1  }
0x2: {  	[smem:$0x3F9F] =	sst lr;
	_ =	strace $0xD0000000  }
0x3: {  	_ = 	snop  }
0x4: {  	_ = 	snop  }
0x5: {  	_ = 	snop  }
0x6: {  	_ = 	snop  }
0x7: {  	_ = 	snop  }
__scs_overlays_trampoline_lowered:
0x8: {  	[smem:$0x3FAE] =	sst s0  }
0x9: {  	[smem:$0x3FAF] =	sst s1  }
0xa: {  	[smem:$0x3FB0] =	sst s2  }
0xb: {  	[smem:$0x3FB1] =	sst s3  }
0xc: {  	[smem:$0x3FB2] =	sst s4  }
0xd: {  	[smem:$0x3FB3] =	sst s5  }
0xe: {  	[smem:$0x3FB4] =	sst s6  }
0xf: {  	[smem:$0x3FB5] =	sst s7  }
0x10: {  	[smem:$0x3FB6] =	sst s8  }
0x11: {  	[smem:$0x3FB7] =	sst s9;
	s0 =	simm.s32 @!p0 $0x0  }
0x12: {  	s1 =	sld [smem:$0x3F9D];
	s0 =	simm.s32 @p0 $0x1  }
0x13: {  	[smem:$0x3FB8] =	sst s0;
	s0 =	simm.s32 @!p1 $0x0  }
0x14: {  	s2 =	sld [smem:$0x3F9C];
	s0 =	simm.s32 @p1 $0x1  }
0x15: {  	[smem:$0x3FB9] =	sst s0;
	s0 =	simm.s32 @!p2 $0x0  }
0x16: {  	s3 =	sld [smem:$0x3FDB];
	s0 =	simm.s32 @p2 $0x1  }
0x17: {  	s4 =	simm.s32 $0x1BF5;
	[smem:$0x3FBB] =	sst s0  }
0x18: {  	s0 =	sld [smem:$0x3F9E];
	_ =	swait.ge [sflag:s4], $0x0  }
0x19: {  	s7 =	sld [smem:$0x3F9F]  }
0x1a: {  	s8 =	sadd.s32 $0xFFFFE003, lr  }
0x1b: {  	s9 =	sadd.s32 $0xFFFFFEF7, lr;
	s5 =	simm.s32 $0xFFFFFFFF;
	p2 =	slt.u32 s8, $0xFFFFF086  }
0x1c: {  	p1 =	slt.u32 s9, $0xF7A;
	s5 =	simm.s32 @!p2 $0x0  }
0x1d: {  	s5 =	simm.s32 @p1 $0x1;
	p0 =	seq.s32 s7, s2  }
0x1e: {  	s7 =	smul.u32 @!p0 $0xF7A, s2;
	p2 =	seq.s32 @!p0 s5, $0x0  }
0x1f: {  	s9 =	smul.u32 $0xF7A, s1;
	s8 =	simm.s32 @!p0 $0x1BF5;
	p2 =	por !p2, p0  }
0x20: {  	[sflag:s8] =	ssyncset.s32 @!p0 $0xFFFFF086;
	s6 =	sadd.s32 @!p0 s3, s7;
	s7 =	simm.s32 @!p0 $0x108  }
0x21: {  	s3 =	sadd.s32 s3, s9;
	s6 =	sadd.s32 @!p0 $0x88, s6;
	s7 =	simm.s32 @p2 $0x1082  }
0x22: {  	[simem:s7], [sflag:s8] =	dma.local @!p0 [hbm:s6], $0xF7A  }
0x23: {  	s9 =	sor.u32 $0xD0000000, s2;
	s6 =	simm.s32 $0x108;
	_ =	swait.ge @!p0 [sflag:s8], $0x0  }
0x24: {  	s3 =	sadd.s32 $0x88, s3;
	s6 =	simm.s32 @!p1 $0x1082;
	[sflag:s4] =	ssyncset.s32 $0xFFFFF086  }
0x25: {  	[simem:s6], [sflag:s4] =	dma.local [hbm:s3], $0xF7A  }
0x26: {  	[smem:$0x3F9F] =	sst s1;
	(tag) =	ssettag s2;
	_ =	strace s9  }
0x27: {  	s1 =	sld [smem:$0x3FAF]  }
0x28: {  	s2 =	sld [smem:$0x3FB0]  }
0x29: {  	s4 =	sld [smem:$0x3FB2]  }
0x2a: {  	p0 =	seq.s32 s5, $0x0;
	s5 =	sld [smem:$0x3FB3]  }
0x2b: {  	s6 =	sld [smem:$0x3FB4]  }
0x2c: {  	s7 =	sld [smem:$0x3FB5]  }
0x2d: {  	s3 =	simm.s32 $0x108;
	s8 =	sld [smem:$0x3FB6]  }
0x2e: {  	s3 =	simm.s32 @!p0 $0x1082;
	s9 =	sld [smem:$0x3FB7]  }
0x2f: {  	lr =	sadd.s32 s0, s3;
	s0 =	sld [smem:$0x3FAE]  }
0x30: {  	s3 =	sld [smem:$0x3FB1]  }
0x31: {  	[smem:$0x3FBA] =	sst s10  }
0x32: {  	s10 =	sld [smem:$0x3FB8];
	_ =	sdelay $0x3  }
0x33: {  	p0 =	seq.s32 s10, $0x1;
	s10 =	sld [smem:$0x3FBA];
	_ =	sdelay $0x3  }
0x34: {  	[smem:$0x3FBA] =	sst s10  }
0x35: {  	s10 =	sld [smem:$0x3FB9];
	_ =	sdelay $0x3  }
0x36: {  	p1 =	seq.s32 s10, $0x1;
	s10 =	sld [smem:$0x3FBA];
	_ =	sdelay $0x3  }
0x37: {  	[smem:$0x3FBA] =	sst s10  }
0x38: {  	s10 =	sld [smem:$0x3FBB]  }
0x39: {  	_ = 	snop;
	(pc) =	sbr.ind lr, $3  }
0x3a: {  	_ = 	snop  }
0x3b: {  	_ = 	snop  }
0x3c: {  	p2 =	seq.s32 s10, $0x1;
	s10 =	sld [smem:$0x3FBA]  }
0x3d: {  	_ =	shalt  }
0x3e: {  	_ =	shalt  }
0x3f: {  	_ =	shalt  }
0x40: {  	_ =	shalt  }
0x41: {  	_ =	shalt  }
0x42: {  	_ =	shalt  }
0x43: {  	_ =	shalt  }
0x44: {  	_ =	shalt  }
0x45: {  	_ =	shalt  }
0x46: {  	_ =	shalt  }
0x47: {  	_ =	shalt  }
0x48: {  	_ =	shalt  }
0x49: {  	_ =	shalt  }
0x4a: {  	_ =	shalt  }
0x4b: {  	_ =	shalt  }
0x4c: {  	_ =	shalt  }
0x4d: {  	_ =	shalt  }
0x4e: {  	_ =	shalt  }
0x4f: {  	_ =	shalt  }
0x50: {  	_ =	shalt  }
0x51: {  	_ =	shalt  }
0x52: {  	_ =	shalt  }
0x53: {  	_ =	shalt  }
0x54: {  	_ =	shalt  }
0x55: {  	_ =	shalt  }
0x56: {  	_ =	shalt  }
0x57: {  	_ =	shalt  }
0x58: {  	_ =	shalt  }
0x59: {  	_ =	shalt  }
0x5a: {  	_ =	shalt  }
0x5b: {  	_ =	shalt  }
0x5c: {  	_ =	shalt  }
0x5d: {  	_ =	shalt  }
0x5e: {  	_ =	shalt  }
0x5f: {  	_ =	shalt  }
0x60: {  	_ =	shalt  }
0x61: {  	_ =	shalt  }
0x62: {  	_ =	shalt  }
0x63: {  	_ =	shalt  }
0x64: {  	_ =	shalt  }
0x65: {  	_ =	shalt  }
0x66: {  	_ =	shalt  }
0x67: {  	_ =	shalt  }
0x68: {  	_ =	shalt  }
0x69: {  	_ =	shalt  }
0x6a: {  	_ =	shalt  }
0x6b: {  	_ =	shalt  }
0x6c: {  	_ =	shalt  }
0x6d: {  	_ =	shalt  }
0x6e: {  	_ =	shalt  }
0x6f: {  	_ =	shalt  }
0x70: {  	_ =	shalt  }
0x71: {  	_ =	shalt  }
0x72: {  	_ =	shalt  }
0x73: {  	_ =	shalt  }
0x74: {  	_ =	shalt  }
0x75: {  	_ =	shalt  }
0x76: {  	_ =	shalt  }
0x77: {  	_ =	shalt  }
0x78: {  	_ =	shalt  }
0x79: {  	_ =	shalt  }
0x7a: {  	_ =	shalt  }
0x7b: {  	_ =	shalt  }
0x7c: {  	_ =	shalt  }
0x7d: {  	_ =	shalt  }
0x7e: {  	_ =	shalt  }
0x7f: {  	_ =	shalt  }
0x80: {  	_ =	shalt  }
0x81: {  	_ =	shalt  }
0x82: {  	_ =	shalt  }
0x83: {  	_ =	shalt  }
0x84: {  	_ =	shalt  }
0x85: {  	_ =	shalt  }
0x86: {  	_ =	shalt  }
0x87: {  	_ =	shalt  }
.Lfunc_end0:
.L_simem_size_0:
called_computation_lowered:
.L_overlay_start_0:
0x88: {  	s0 =	sld [smem:$0x3FD9]  }
0x89: {  	s1 =	sld [smem:$0x3FFE];
	_ =	sdelay $0x3  }
0x8a: {  	s0 =	sadd.s32 s1, s0  }
0x8b: {  	[smem:$0x3FC6] =	sst s0  }
0x8c: {  	_ = 	snop  }
0x8d: {  	s0 =	sld [smem:$0x3FD0];
	_ =	sdelay $0x1  }
0x8e: {  	s14 =	sld [smem:$0x3FC9]  }
0x8f: {  	s3 =	simm.s32 $0xA;
	s4 =	simm.s32 $0x10;
	s2 =	sld [smem:$0x3FC8]  }
0x90: {  	[smem:s4], [sflag:s3] =	dma.local [hbm:s0], $0x1  }
0x91: {  	_ =	swait.eq [sflag:s3], $0x1  }
0x92: {  	[sflag:s3] =	ssyncset.done $0x0  }
0x93: {  	s15 =	sld [smem:$0x10];
	[sflag:s3] =	ssyncadd.s32 $0xFFFFFFFF  }
0x94: {  	s16 =	sld [smem:$0x11];
	(tm) =	ssettm $0x1  }
0x95: {  	s17 =	sld [smem:$0x3FFB];
	_ =	sdelay $0x3  }
0x96: {  	_ =	strace s17  }
0x97: {  	s4 =	sld [smem:$0x3FFC];
	_ =	sdelay $0x3  }
0x98: {  	_ =	strace s4  }
0x99: {  	s4 =	sld [smem:$0x3FFD];
	_ =	sdelay $0x3  }
0x9a: {  	_ =	strace s4  }
0x9b: {  	_ =	strace $0x8FFFFFFF  }
0x9c: {  	s18 =	sld [smem:$0x3FDB];
	_ =	sdelay $0x1  }
0x9d: {  	s5 =	simm.s32 $_scs_section_size  }
0x9e: {  	s6 =	simm.s32 $_size__tile_overlayer_lowered;
	s7 =	simm.s32 $_tile_overlayer_lowered  }
0x9f: {  	s21 =	simm.s32 $0x1BFF;
	s20 =	sshll.u32 s7, $0x1;
	s4 =	sadd.s32 s5, s18  }
0xa0: {  	s8 =	simm.s32 $0x0;
	s19 =	sshll.u32 s6, $0x1;
	s6 =	sadd.s32 s20, s4  }
0xa1: {  	[timem:s8], [sflag:s21] =	dma.local [hbm:s6], s19  }
0xa2: {  	_ =	swait.ge [sflag:s21], s19  }
0xa3: {  	s5 =	ssub.s32 $0x0, s19;
	[sflag:s21] =	ssyncset.done $0x0  }
0xa4: {  	[sflag:s21] =	ssyncadd.s32 s5;
	_ =	sdelay $0x1  }
0xa5: {  	s22 =	simm.s32 $0x1B8B  }
0xa6: {  	_ =	swait.ge [sflag:s22], $0x1  }
0xa7: {  	[sflag:s22] =	ssyncset.done $0x0  }
0xa8: {  	s23 =	simm.s32 $0x1B8E;
	[sflag:s22] =	ssyncadd.s32 $0xFFFFFFFF  }
0xa9: {  	s24 =	simm.s32 $execute0_lowered;
	[smem:$0x3FD2] =	sst s23  }
0xaa: {  	s5 =	sshll.u32 s24, $0x1;
	_ =	strace $0x80000046;
	[dreg:$0x1] =	wrdreg $0xFFFFFFFF  }
0xab: {  	s25 =	simm.s32 $_size_execute0_lowered;
	s4 =	sadd.s32 s4, s5;
	[dreg:$0x0] =	wrdreg $0x0  }
0xac: {  	s5 =	sshll.u32 s25, $0x1;
	[dreg:$0x2] =	wrdreg s4  }
0xad: {  	[dreg:$0x3] =	wrdreg s5  }
0xae: {  	[dreg:$0x4] =	wrdreg $0xC0  }
0xaf: {  	_ =	task [dreg:s8], $0x5FFFF  }
0xb0: {  	[dreg:$0x1] =	wrdreg $0xFFFFFFFF  }
0xb1: {  	[dreg:$0x0] =	wrdreg $0x60  }
0xb2: {  	[dreg:$0x2] =	wrdreg s14  }
0xb3: {  	[dreg:$0x3] =	wrdreg s2  }
0xb4: {  	[dreg:$0x4] =	wrdreg s15  }
0xb5: {  	[dreg:$0x5] =	wrdreg s16  }
0xb6: {  	[dreg:$0x6] =	wrdreg $0x9  }
0xb7: {  	_ =	task.clear_ibuf [dreg:s8], $0x7FFFF;
	_ =	strace $0x90000046  }
0xb8: {  	s26 =	simm.s32 $0x9;
	_ =	strace $0x80000048  }
0xb9: {  	_ =	swait.ge [sflag:s26], $0x1  }
0xba: {  	[sflag:s26] =	ssyncadd.s32 $0xFFFFFFFF  }
0xbb: {  	_ =	strace $0x90000048  }
0xbc: {  	_ =	sfence  }
0xbd: {  	s28 =	sld [smem:$0x0];
	_ =	sdelay $0x1  }
0xbe: {  	s29 =	srdreg.scid  }
0xbf: {  	s30 =	sshll.u32 s29, $0xD;
	s31 =	sshrl.u32 s29, $0x2  }
0xc0: {  	s1 =	sand.u32 $0x1, s29;
	s2 =	sand.u32 $0x4000, s30;
	s0 =	sadd.s32 s31, s28  }
0xc1: {  	s1 =	sor.u32 s2, s1;
	s0 =	sshll.u32 s0, $0x11  }
0xc2: {  	s0 =	sor.u32 s0, s1  }
0xc3: {  	s0 =	sadd.s32 $0x8F2B, s0  }
0xc4: {  	[sflag:s0] =	ssyncadd.remote.s32 $0x1  }
0xc5: {  	_ =	sfence.sel $0xFFFF  }
0xc6: {  	[dreg:$0x0] =	wrdreg $0xFFFFFFFF;
	(pc) =	sbr.abs _section_cstart, $3  }
0xc7: {  	[dreg:$0x1] =	wrdreg $0xFFFFFFFF  }
0xc8: {  	_ =	task.clear_ibuf [dreg:s8], $0x2FFFF;
	_ =	strace $0x9FFFFFFF  }
0xc9: {  	(tm) =	ssettm $0x7FFFFFFF  }
tec
execute0_lowered:
.L_overlay_start_1:
0x0: {  	(tag) =	ssettag $0x1  }
0x1: {  	s6 =	rddreg [dreg:$0x0]  }
0x2: {  	s9 =	rddreg [dreg:$0x1];
	s2 =	stileid.u32  }
0x3: {  	s3 =	rddreg [dreg:$0x2];
	s5 =	sshrl.u32 s2, $0x3;
	s4 =	sshll.u32 s2, $0x7  }
0x4: {  	s1 =	rddreg [dreg:$0x3];
	s7 =	sshll.u32 s5, $0xF;
	s4 =	sand.u32 $0x380, s4  }
0x5: {  	s0 =	rddreg [dreg:$0x4];
	s8 =	simm.s32 $0x0;
	s7 =	sor.u32 s4, s7  }
0x6: {  	s11 =	simm.s32 $0x80;
	[smem:$0x7FF] =	sst s8;
	s7 =	sshrl.u32 s7, $0x3  }
0x7: {  	s12 =	simm.s32 $0x400;
	_ =	strace $0x80000047;
	s10 =	sadd.s32 s6, s7  }
0x8: {  	[tilespmem:s8], [sflag:$0x1] =	stream.strided.gather [hbm4b:s10+s11], $0x400, s12, s11, $0x38;
	[tilespmem:$0x2180] =	vst v63  }
0x9: {  	s13 =	simm.s32 $0x2080;
	s21 =	simm.s32 $0x2  }
0xa: {  	[tilespmem:s13], [sflag:$0x2] =	stream.linear.gather [hbm4b:s9+s8], $0x80, $0x38;
	[tilespmem:$0x2180] =	vst v63  }
0xb: {  	_ =	swait.ge [sflag:s21], $0x80  }
0xc: {  	[sflag:s21] =	ssyncset.done $0x0  }
0xd: {  	[sflag:s21] =	ssyncadd.s32 $0xFFFFFF80  }
0xe: {  	v0 =	vld [tilespmem:$0x2080];
	_ =	sdelay $0x2  }
0xf: {  	v2 =	vlaneseq.u32;
	v1 =	vmov s2  }
0x10: {  	vm0 =	veq.s32 v1, v2  }
0x11: {  	v1 =	vnsel vm0, $0x0, v0  }
0x12: {  	(xrf0) =	vadd.scan.msk.s32 $0xffff, v1;
	_ =	sdelay $0x4  }
0x13: {  	s23 =	simm.s32 $0x1;
	s22 =	sadd.s32 $0x400, s10  }
0x14: {  	[tilespmem:s12], [sflag:$0x1] =	stream.strided.gather [hbm4b:s22+s11], $0x400, s12, s11, $0x38;
	v1, _, _ =	vpop (xrf0);
	[tilespmem:$0x2180] =	vst v63  }
0x15: {  	_ =	swait.ge [sflag:s23], $0x400  }
0x16: {  	[sflag:s23] =	ssyncset.done $0x0  }
0x17: {  	s24 =	simm.s32 $0x40;
	[sflag:s23] =	ssyncadd.s32 $0xFFFFFC00  }
0x18: {  	v3 =	vld [tilespmem:s24+$0x30]  }
0x19: {  	v4 =	vld [tilespmem:s24+$0xFFFFFFD0]  }
0x1a: {  	s25 =	simm.s32 $0x70;
	v1 =	vbroadcast v1, $0xF;
	v8 =	vld [tilespmem:s24+$0xFFFFFFE0]  }
0x1b: {  	s26 =	simm.s32 $0x10;
	v5 =	vor.u32 s25, v2;
	v9 =	vld [tilespmem:s24+$0xFFFFFFF0]  }
0x1c: {  	s28 =	simm.s32 $0x20;
	v6 =	vor.u32 s26, v2;
	vm0 =	vlt.s32 v5, v1;
	v7 =	vld [tilespmem:s24+$0x0]  }
0x1d: {  	s29 =	simm.s32 $0x30;
	s10 =	simm.s32 $0x1041;
	vm1 =	vlt.s32 v6, v1;
	v5 =	vor.u32 s28, v2;
	v6 =	vld [tilespmem:s24+$0x10];
	v3 =	vnsel vm0, $0x0, v3  }
0x1e: {  	s30 =	simm.s32 $0x40;
	v10 =	vor.u32 s29, v2;
	v4 =	vnsel vm1, $0x0, v4;
	vm0 =	vlt.s32 v5, v1;
	v5 =	vld [tilespmem:s24+$0x20];
	[tilespmem:s10+$0x30] =	vst v3  }
0x1f: {  	s31 =	simm.s32 $0x50;
	s11 =	simm.s32 $0xC0;
	v3 =	vld [tilespmem:s24+$0xFFFFFFC0];
	[tilespmem:s10+$0xFFFFFFD0] =	vst v4;
	v8 =	vnsel vm0, $0x0, v8;
	vm0 =	vlt.s32 v10, v1;
	v10 =	vor.u32 s30, v2  }
0x20: {  	s9 =	simm.s32 $0x80;
	s13 =	simm.s32 $0x60;
	s12 =	simm.s32 $0x100;
	v4 =	vld [tilespmem:s11+$0x30];
	[tilespmem:s10+$0xFFFFFFE0] =	vst v8;
	v8 =	vnsel vm0, $0x0, v9;
	vm0 =	vlt.s32 v10, v1;
	v9 =	vor.u32 s31, v2  }
.LBB2_1:
0x21: {  	p0 =	slt.u32 s12, $0x380;
	v10 =	vld [tilespmem:s11+$0xFFFFFFD0];
	[tilespmem:s10+$0xFFFFFFF0] =	vst v8;
	v7 =	vnsel vm0, $0x0, v7;
	vm0 =	vlt.s32 v9, v1;
	v8 =	vor.u32 s13, v2  }
0x22: {  	s13 =	sadd.s32 $0x70, s9;
	v11 =	vor.u32 s8, v2;
	s8 =	smov.u32 s9;
	s9 =	smov.u32 s12;
	v9 =	vld [tilespmem:s11+$0xFFFFFFE0];
	[tilespmem:s10+$0x0] =	vst v7;
	v6 =	vnsel vm0, $0x0, v6;
	vm0 =	vlt.s32 v8, v1  }
0x23: {  	s14 =	sadd.s32 $0x10, s8;
	v12 =	vor.u32 s13, v2;
	vm1 =	vlt.s32 v11, v1;
	v8 =	vld [tilespmem:s11+$0xFFFFFFF0];
	[tilespmem:s10+$0x10] =	vst v6;
	v5 =	vnsel vm0, $0x0, v5  }
.Ltmp0:
0x24: {  	s13 =	sadd.s32 $0x20, s8;
	v6 =	vor.u32 s14, v2;
	vm0 =	vlt.s32 v12, v1;
	v7 =	vld [tilespmem:s11+$0x0];
	v3 =	vnsel vm1, $0x0, v3;
	[tilespmem:s10+$0x20] =	vst v5;
	(pc) =	sbr.rel @p0 .LBB2_1-.Ltmp0, $4  }
0x25: {  	vm1 =	vlt.s32 v6, v1;
	v5 =	vor.u32 s13, v2;
	s13 =	sadd.s32 $0x30, s8;
	v6 =	vld [tilespmem:s11+$0x10];
	v4 =	vnsel vm0, $0x0, v4;
	[tilespmem:s10+$0xFFFFFFC0] =	vst v3;
	s10 =	sadd.s32 $0x80, s10  }
0x26: {  	vm0 =	vlt.s32 v5, v1;
	v11 =	vor.u32 s13, v2;
	s13 =	sadd.s32 $0x40, s8;
	v10 =	vnsel vm1, $0x0, v10;
	v5 =	vld [tilespmem:s11+$0x20];
	[tilespmem:s10+$0x30] =	vst v4  }
0x27: {  	v3 =	vld [tilespmem:s11+$0xFFFFFFC0];
	[tilespmem:s10+$0xFFFFFFD0] =	vst v10;
	v9 =	vnsel vm0, $0x0, v9;
	vm0 =	vlt.s32 v11, v1;
	v10 =	vor.u32 s13, v2;
	s13 =	sadd.s32 $0x50, s8;
	s11 =	sadd.s32 $0x80, s11  }
0x28: {  	s12 =	sadd.s32 $0x80, s12;
	v4 =	vld [tilespmem:s11+$0x30];
	[tilespmem:s10+$0xFFFFFFE0] =	vst v9;
	v8 =	vnsel vm0, $0x0, v8;
	vm0 =	vlt.s32 v10, v1;
	v9 =	vor.u32 s13, v2;
	s13 =	sadd.s32 $0x60, s8  }
0x29: {  	v10 =	vld [tilespmem:s11+$0xFFFFFFD0];
	[tilespmem:s10+$0xFFFFFFF0] =	vst v8;
	v7 =	vnsel vm0, $0x0, v7;
	vm0 =	vlt.s32 v9, v1;
	v8 =	vor.u32 s13, v2  }
0x2a: {  	v9 =	vld [tilespmem:s11+$0xFFFFFFE0];
	s12 =	sadd.s32 $0x70, s9;
	v11 =	vor.u32 s8, v2;
	[tilespmem:s10+$0x0] =	vst v7;
	v6 =	vnsel vm0, $0x0, v6;
	vm0 =	vlt.s32 v8, v1  }
0x2b: {  	s14 =	sadd.s32 $0x10, s9;
	v7 =	vld [tilespmem:s11+$0xFFFFFFF0];
	v8 =	vor.u32 s12, v2;
	vm1 =	vlt.s32 v11, v1;
	[tilespmem:s10+$0x10] =	vst v6;
	v5 =	vnsel vm0, $0x0, v5  }
0x2c: {  	s15 =	sadd.s32 $0x20, s9;
	v11 =	vld [tilespmem:s11+$0x0];
	v6 =	vor.u32 s14, v2;
	vm0 =	vlt.s32 v8, v1;
	v3 =	vnsel vm1, $0x0, v3;
	[tilespmem:s10+$0x20] =	vst v5  }
0x2d: {  	s16 =	sadd.s32 $0x30, s9;
	s17 =	sadd.s32 $0x80, s10;
	vm1 =	vlt.s32 v6, v1;
	v5 =	vor.u32 s15, v2;
	v6 =	vld [tilespmem:s11+$0x10];
	v4 =	vnsel vm0, $0x0, v4;
	[tilespmem:s10+$0xFFFFFFC0] =	vst v3  }
0x2e: {  	s18 =	sadd.s32 $0x40, s9;
	v8 =	vld [tilespmem:s11+$0x20];
	vm0 =	vlt.s32 v5, v1;
	v5 =	vor.u32 s16, v2;
	v3 =	vnsel vm1, $0x0, v10;
	[tilespmem:s17+$0x30] =	vst v4  }
0x2f: {  	s19 =	sadd.s32 $0x50, s9;
	v4 =	vld [tilespmem:s11+$0xFFFFFFC0];
	[tilespmem:s17+$0xFFFFFFD0] =	vst v3;
	v3 =	vnsel vm0, $0x0, v9;
	vm0 =	vlt.s32 v5, v1;
	v5 =	vor.u32 s18, v2  }
0x30: {  	s20 =	sadd.s32 $0x60, s9;
	[tilespmem:s17+$0xFFFFFFE0] =	vst v3;
	v3 =	vnsel vm0, $0x0, v7;
	vm0 =	vlt.s32 v5, v1;
	v5 =	vor.u32 s19, v2  }
0x31: {  	[tilespmem:s17+$0xFFFFFFF0] =	vst v3;
	v3 =	vnsel vm0, $0x0, v11;
	vm0 =	vlt.s32 v5, v1;
	v5 =	vor.u32 s20, v2  }
0x32: {  	v2 =	vor.u32 s9, v2;
	[tilespmem:s17+$0x0] =	vst v3;
	v3 =	vnsel vm0, $0x0, v6;
	vm0 =	vlt.s32 v5, v1  }
0x33: {  	vm1 =	vlt.s32 v2, v1;
	[tilespmem:s17+$0x10] =	vst v3;
	v2 =	vnsel vm0, $0x0, v8  }
0x34: {  	v3 =	vnsel vm1, $0x0, v4;
	[tilespmem:s17+$0x20] =	vst v2  }
0x35: {  	[tilespmem:s17+$0xFFFFFFC0] =	vst v3  }
0x36: {  	v3 =	vld [tilespmem:$0x1000];
	_ =	sdelay $0x2  }
0x37: {  	v2 =	vlaneseq.u32  }
0x38: {  	vm0 =	veq.s32 v2, $0x0  }
0x39: {  	s6 =	sadd.s32 s7, s6;
	s21 =	simm.s32 $0x80;
	s22 =	simm.s32 $0x800;
	v3 =	vsel vm0, $0x1, v3  }
0x3a: {  	s23 =	simm.s32 $0x1;
	s7 =	sadd.s32 $0x800, s6;
	s9 =	simm.s32 $0x400;
	[tilespmem:$0x1000] =	vst v3  }
0x3b: {  	[tilespmem:s22], [sflag:$0x1] =	stream.strided.gather [hbm4b:s7+s21], $0x400, s9, s21, $0x38;
	[tilespmem:$0x2180] =	vst v63  }
0x3c: {  	_ =	swait.ge [sflag:s23], $0x400  }
0x3d: {  	[sflag:s23] =	ssyncset.done $0x0  }
0x3e: {  	s24 =	simm.s32 $0x470;
	[sflag:s23] =	ssyncadd.s32 $0xFFFFFC00  }
0x3f: {  	v3 =	vld [tilespmem:s24+$0x0]  }
0x40: {  	v4 =	vld [tilespmem:s24+$0xFFFFFFA0]  }
0x41: {  	s25 =	simm.s32 $0x470;
	v8 =	vld [tilespmem:s24+$0xFFFFFFB0]  }
0x42: {  	s26 =	simm.s32 $0x410;
	v5 =	vor.u32 s25, v2;
	v9 =	vld [tilespmem:s24+$0xFFFFFFC0]  }
0x43: {  	s28 =	simm.s32 $0x420;
	v6 =	vor.u32 s26, v2;
	vm0 =	vlt.s32 v5, v1;
	v7 =	vld [tilespmem:s24+$0xFFFFFFD0]  }
0x44: {  	s8 =	simm.s32 $0x1471;
	s29 =	simm.s32 $0x430;
	vm1 =	vlt.s32 v6, v1;
	v5 =	vor.u32 s28, v2;
	v6 =	vld [tilespmem:s24+$0xFFFFFFE0];
	v3 =	vnsel vm0, $0x0, v3  }
0x45: {  	s30 =	simm.s32 $0x440;
	v10 =	vor.u32 s29, v2;
	v4 =	vnsel vm1, $0x0, v4;
	vm0 =	vlt.s32 v5, v1;
	v5 =	vld [tilespmem:s24+$0xFFFFFFF0];
	[tilespmem:s8+$0x0] =	vst v3  }
0x46: {  	s31 =	simm.s32 $0x450;
	s10 =	simm.s32 $0x4F0;
	v3 =	vld [tilespmem:s24+$0xFFFFFF90];
	[tilespmem:s8+$0xFFFFFFA0] =	vst v4;
	v8 =	vnsel vm0, $0x0, v8;
	vm0 =	vlt.s32 v10, v1;
	v10 =	vor.u32 s30, v2  }
0x47: {  	s12 =	simm.s32 $0x460;
	s11 =	simm.s32 $0x500;
	s7 =	simm.s32 $0x480;
	v4 =	vld [tilespmem:s10+$0x0];
	[tilespmem:s8+$0xFFFFFFB0] =	vst v8;
	v8 =	vnsel vm0, $0x0, v9;
	vm0 =	vlt.s32 v10, v1;
	v9 =	vor.u32 s31, v2  }
.LBB2_3:
0x48: {  	p0 =	slt.u32 s11, $0x780;
	v10 =	vld [tilespmem:s10+$0xFFFFFFA0];
	[tilespmem:s8+$0xFFFFFFC0] =	vst v8;
	v7 =	vnsel vm0, $0x0, v7;
	vm0 =	vlt.s32 v9, v1;
	v8 =	vor.u32 s12, v2  }
0x49: {  	s12 =	sadd.s32 $0x70, s7;
	v11 =	vor.u32 s9, v2;
	s9 =	smov.u32 s7;
	s7 =	smov.u32 s11;
	v9 =	vld [tilespmem:s10+$0xFFFFFFB0];
	[tilespmem:s8+$0xFFFFFFD0] =	vst v7;
	v6 =	vnsel vm0, $0x0, v6;
	vm0 =	vlt.s32 v8, v1  }
0x4a: {  	s13 =	sadd.s32 $0x10, s9;
	v12 =	vor.u32 s12, v2;
	vm1 =	vlt.s32 v11, v1;
	v8 =	vld [tilespmem:s10+$0xFFFFFFC0];
	[tilespmem:s8+$0xFFFFFFE0] =	vst v6;
	v5 =	vnsel vm0, $0x0, v5  }
.Ltmp1:
0x4b: {  	s12 =	sadd.s32 $0x20, s9;
	v6 =	vor.u32 s13, v2;
	vm0 =	vlt.s32 v12, v1;
	v7 =	vld [tilespmem:s10+$0xFFFFFFD0];
	v3 =	vnsel vm1, $0x0, v3;
	[tilespmem:s8+$0xFFFFFFF0] =	vst v5;
	(pc) =	sbr.rel @p0 .LBB2_3-.Ltmp1, $4  }
0x4c: {  	vm1 =	vlt.s32 v6, v1;
	v5 =	vor.u32 s12, v2;
	s12 =	sadd.s32 $0x30, s9;
	v6 =	vld [tilespmem:s10+$0xFFFFFFE0];
	v4 =	vnsel vm0, $0x0, v4;
	[tilespmem:s8+$0xFFFFFF90] =	vst v3;
	s8 =	sadd.s32 $0x80, s8  }
0x4d: {  	vm0 =	vlt.s32 v5, v1;
	v11 =	vor.u32 s12, v2;
	s12 =	sadd.s32 $0x40, s9;
	v10 =	vnsel vm1, $0x0, v10;
	v5 =	vld [tilespmem:s10+$0xFFFFFFF0];
	[tilespmem:s8+$0x0] =	vst v4  }
0x4e: {  	v3 =	vld [tilespmem:s10+$0xFFFFFF90];
	[tilespmem:s8+$0xFFFFFFA0] =	vst v10;
	v9 =	vnsel vm0, $0x0, v9;
	vm0 =	vlt.s32 v11, v1;
	v10 =	vor.u32 s12, v2;
	s12 =	sadd.s32 $0x50, s9;
	s10 =	sadd.s32 $0x80, s10  }
0x4f: {  	s11 =	sadd.s32 $0x80, s11;
	v4 =	vld [tilespmem:s10+$0x0];
	[tilespmem:s8+$0xFFFFFFB0] =	vst v9;
	v8 =	vnsel vm0, $0x0, v8;
	vm0 =	vlt.s32 v10, v1;
	v9 =	vor.u32 s12, v2;
	s12 =	sadd.s32 $0x60, s9  }
0x50: {  	v10 =	vld [tilespmem:s10+$0xFFFFFFA0];
	[tilespmem:s8+$0xFFFFFFC0] =	vst v8;
	v7 =	vnsel vm0, $0x0, v7;
	vm0 =	vlt.s32 v9, v1;
	v8 =	vor.u32 s12, v2  }
0x51: {  	v9 =	vld [tilespmem:s10+$0xFFFFFFB0];
	s11 =	sadd.s32 $0x70, s7;
	v11 =	vor.u32 s9, v2;
	[tilespmem:s8+$0xFFFFFFD0] =	vst v7;
	v6 =	vnsel vm0, $0x0, v6;
	vm0 =	vlt.s32 v8, v1  }
0x52: {  	s13 =	sadd.s32 $0x10, s7;
	v7 =	vld [tilespmem:s10+$0xFFFFFFC0];
	v8 =	vor.u32 s11, v2;
	vm1 =	vlt.s32 v11, v1;
	[tilespmem:s8+$0xFFFFFFE0] =	vst v6;
	v5 =	vnsel vm0, $0x0, v5  }
0x53: {  	s14 =	sadd.s32 $0x20, s7;
	v11 =	vld [tilespmem:s10+$0xFFFFFFD0];
	v6 =	vor.u32 s13, v2;
	vm0 =	vlt.s32 v8, v1;
	v3 =	vnsel vm1, $0x0, v3;
	[tilespmem:s8+$0xFFFFFFF0] =	vst v5  }
0x54: {  	s15 =	sadd.s32 $0x30, s7;
	s16 =	sadd.s32 $0x80, s8;
	vm1 =	vlt.s32 v6, v1;
	v5 =	vor.u32 s14, v2;
	v6 =	vld [tilespmem:s10+$0xFFFFFFE0];
	v4 =	vnsel vm0, $0x0, v4;
	[tilespmem:s8+$0xFFFFFF90] =	vst v3  }
0x55: {  	s17 =	sadd.s32 $0x40, s7;
	v8 =	vld [tilespmem:s10+$0xFFFFFFF0];
	vm0 =	vlt.s32 v5, v1;
	v5 =	vor.u32 s15, v2;
	v3 =	vnsel vm1, $0x0, v10;
	[tilespmem:s16+$0x0] =	vst v4  }
0x56: {  	s18 =	sadd.s32 $0x50, s7;
	v4 =	vld [tilespmem:s10+$0xFFFFFF90];
	[tilespmem:s16+$0xFFFFFFA0] =	vst v3;
	v3 =	vnsel vm0, $0x0, v9;
	vm0 =	vlt.s32 v5, v1;
	v5 =	vor.u32 s17, v2  }
0x57: {  	s19 =	sadd.s32 $0x60, s7;
	[tilespmem:s16+$0xFFFFFFB0] =	vst v3;
	v3 =	vnsel vm0, $0x0, v7;
	vm0 =	vlt.s32 v5, v1;
	v5 =	vor.u32 s18, v2  }
0x58: {  	[tilespmem:s16+$0xFFFFFFC0] =	vst v3;
	v3 =	vnsel vm0, $0x0, v11;
	vm0 =	vlt.s32 v5, v1;
	v5 =	vor.u32 s19, v2  }
0x59: {  	v2 =	vor.u32 s7, v2;
	[tilespmem:s16+$0xFFFFFFD0] =	vst v3;
	v3 =	vnsel vm0, $0x0, v6;
	vm0 =	vlt.s32 v5, v1  }
0x5a: {  	vm1 =	vlt.s32 v2, v1;
	[tilespmem:s16+$0xFFFFFFE0] =	vst v3;
	v2 =	vnsel vm0, $0x0, v8  }
0x5b: {  	s6 =	sadd.s32 $0xC00, s6;
	s20 =	simm.s32 $0x80;
	v3 =	vnsel vm1, $0x0, v4;
	[tilespmem:s16+$0xFFFFFFF0] =	vst v2  }
0x5c: {  	s21 =	simm.s32 $0x400;
	s22 =	simm.s32 $0xC00;
	s23 =	simm.s32 $0x1;
	[tilespmem:s16+$0xFFFFFF90] =	vst v3  }
0x5d: {  	[tilespmem:s22], [sflag:$0x1] =	stream.strided.gather [hbm4b:s6+s20], $0x400, s21, s20, $0x38;
	[tilespmem:$0x2180] =	vst v63  }
0x5e: {  	_ =	swait.ge [sflag:s23], $0x400  }
0x5f: {  	[sflag:s23] =	ssyncset.done $0x0  }
0x60: {  	s24 =	simm.s32 $0x870;
	[sflag:s23] =	ssyncadd.s32 $0xFFFFFC00  }
0x61: {  	v3 =	vld [tilespmem:s24+$0x0]  }
0x62: {  	v4 =	vld [tilespmem:s24+$0xFFFFFFA0]  }
0x63: {  	s25 =	simm.s32 $0x870;
	v2 =	vlaneseq.u32;
	v8 =	vld [tilespmem:s24+$0xFFFFFFB0]  }
0x64: {  	s26 =	simm.s32 $0x810;
	v5 =	vor.u32 s25, v2;
	v9 =	vld [tilespmem:s24+$0xFFFFFFC0]  }
0x65: {  	s28 =	simm.s32 $0x820;
	v6 =	vor.u32 s26, v2;
	vm0 =	vlt.s32 v5, v1;
	v7 =	vld [tilespmem:s24+$0xFFFFFFD0]  }
0x66: {  	s29 =	simm.s32 $0x830;
	s7 =	simm.s32 $0x1871;
	vm1 =	vlt.s32 v6, v1;
	v5 =	vor.u32 s28, v2;
	v6 =	vld [tilespmem:s24+$0xFFFFFFE0];
	v3 =	vnsel vm0, $0x0, v3  }
0x67: {  	s30 =	simm.s32 $0x840;
	v10 =	vor.u32 s29, v2;
	v4 =	vnsel vm1, $0x0, v4;
	vm0 =	vlt.s32 v5, v1;
	v5 =	vld [tilespmem:s24+$0xFFFFFFF0];
	[tilespmem:s7+$0x0] =	vst v3  }
0x68: {  	s9 =	simm.s32 $0x800;
	s31 =	simm.s32 $0x850;
	s8 =	simm.s32 $0x8F0;
	v3 =	vld [tilespmem:s24+$0xFFFFFF90];
	[tilespmem:s7+$0xFFFFFFA0] =	vst v4;
	v8 =	vnsel vm0, $0x0, v8;
	vm0 =	vlt.s32 v10, v1;
	v10 =	vor.u32 s30, v2  }
0x69: {  	s11 =	simm.s32 $0x860;
	s10 =	simm.s32 $0x900;
	s6 =	simm.s32 $0x880;
	v4 =	vld [tilespmem:s8+$0x0];
	[tilespmem:s7+$0xFFFFFFB0] =	vst v8;
	v8 =	vnsel vm0, $0x0, v9;
	vm0 =	vlt.s32 v10, v1;
	v9 =	vor.u32 s31, v2  }
.LBB2_5:
0x6a: {  	p0 =	slt.u32 s10, $0xB80;
	v10 =	vld [tilespmem:s8+$0xFFFFFFA0];
	[tilespmem:s7+$0xFFFFFFC0] =	vst v8;
	v7 =	vnsel vm0, $0x0, v7;
	vm0 =	vlt.s32 v9, v1;
	v8 =	vor.u32 s11, v2  }
0x6b: {  	s11 =	sadd.s32 $0x70, s6;
	v11 =	vor.u32 s9, v2;
	s9 =	smov.u32 s6;
	s6 =	smov.u32 s10;
	v9 =	vld [tilespmem:s8+$0xFFFFFFB0];
	[tilespmem:s7+$0xFFFFFFD0] =	vst v7;
	v6 =	vnsel vm0, $0x0, v6;
	vm0 =	vlt.s32 v8, v1  }
0x6c: {  	s12 =	sadd.s32 $0x10, s9;
	v12 =	vor.u32 s11, v2;
	vm1 =	vlt.s32 v11, v1;
	v8 =	vld [tilespmem:s8+$0xFFFFFFC0];
	[tilespmem:s7+$0xFFFFFFE0] =	vst v6;
	v5 =	vnsel vm0, $0x0, v5  }
.Ltmp2:
0x6d: {  	s11 =	sadd.s32 $0x20, s9;
	v6 =	vor.u32 s12, v2;
	vm0 =	vlt.s32 v12, v1;
	v7 =	vld [tilespmem:s8+$0xFFFFFFD0];
	v3 =	vnsel vm1, $0x0, v3;
	[tilespmem:s7+$0xFFFFFFF0] =	vst v5;
	(pc) =	sbr.rel @p0 .LBB2_5-.Ltmp2, $4  }
0x6e: {  	vm1 =	vlt.s32 v6, v1;
	v5 =	vor.u32 s11, v2;
	s11 =	sadd.s32 $0x30, s9;
	v6 =	vld [tilespmem:s8+$0xFFFFFFE0];
	v4 =	vnsel vm0, $0x0, v4;
	[tilespmem:s7+$0xFFFFFF90] =	vst v3;
	s7 =	sadd.s32 $0x80, s7  }
0x6f: {  	vm0 =	vlt.s32 v5, v1;
	v11 =	vor.u32 s11, v2;
	s11 =	sadd.s32 $0x40, s9;
	v10 =	vnsel vm1, $0x0, v10;
	v5 =	vld [tilespmem:s8+$0xFFFFFFF0];
	[tilespmem:s7+$0x0] =	vst v4  }
0x70: {  	v3 =	vld [tilespmem:s8+$0xFFFFFF90];
	[tilespmem:s7+$0xFFFFFFA0] =	vst v10;
	v9 =	vnsel vm0, $0x0, v9;
	vm0 =	vlt.s32 v11, v1;
	v10 =	vor.u32 s11, v2;
	s11 =	sadd.s32 $0x50, s9;
	s8 =	sadd.s32 $0x80, s8  }
0x71: {  	s10 =	sadd.s32 $0x80, s10;
	v4 =	vld [tilespmem:s8+$0x0];
	[tilespmem:s7+$0xFFFFFFB0] =	vst v9;
	v8 =	vnsel vm0, $0x0, v8;
	vm0 =	vlt.s32 v10, v1;
	v9 =	vor.u32 s11, v2;
	s11 =	sadd.s32 $0x60, s9  }
0x72: {  	v10 =	vld [tilespmem:s8+$0xFFFFFFA0];
	[tilespmem:s7+$0xFFFFFFC0] =	vst v8;
	v7 =	vnsel vm0, $0x0, v7;
	vm0 =	vlt.s32 v9, v1;
	v8 =	vor.u32 s11, v2  }
0x73: {  	v9 =	vld [tilespmem:s8+$0xFFFFFFB0];
	s10 =	sadd.s32 $0x70, s6;
	v11 =	vor.u32 s9, v2;
	[tilespmem:s7+$0xFFFFFFD0] =	vst v7;
	v6 =	vnsel vm0, $0x0, v6;
	vm0 =	vlt.s32 v8, v1  }
0x74: {  	s16 =	sadd.s32 $0x10, s6;
	v7 =	vld [tilespmem:s8+$0xFFFFFFC0];
	v8 =	vor.u32 s10, v2;
	vm1 =	vlt.s32 v11, v1;
	[tilespmem:s7+$0xFFFFFFE0] =	vst v6;
	v5 =	vnsel vm0, $0x0, v5  }
0x75: {  	s17 =	sadd.s32 $0x20, s6;
	v11 =	vld [tilespmem:s8+$0xFFFFFFD0];
	v6 =	vor.u32 s16, v2;
	vm0 =	vlt.s32 v8, v1;
	v3 =	vnsel vm1, $0x0, v3;
	[tilespmem:s7+$0xFFFFFFF0] =	vst v5  }
0x76: {  	s18 =	sadd.s32 $0x30, s6;
	s19 =	sadd.s32 $0x80, s7;
	vm1 =	vlt.s32 v6, v1;
	v5 =	vor.u32 s17, v2;
	v6 =	vld [tilespmem:s8+$0xFFFFFFE0];
	v4 =	vnsel vm0, $0x0, v4;
	[tilespmem:s7+$0xFFFFFF90] =	vst v3  }
0x77: {  	s20 =	sadd.s32 $0x40, s6;
	v8 =	vld [tilespmem:s8+$0xFFFFFFF0];
	vm0 =	vlt.s32 v5, v1;
	v5 =	vor.u32 s18, v2;
	v3 =	vnsel vm1, $0x0, v10;
	[tilespmem:s19+$0x0] =	vst v4  }
0x78: {  	s21 =	sadd.s32 $0x50, s6;
	v4 =	vld [tilespmem:s8+$0xFFFFFF90];
	[tilespmem:s19+$0xFFFFFFA0] =	vst v3;
	v3 =	vnsel vm0, $0x0, v9;
	vm0 =	vlt.s32 v5, v1;
	v5 =	vor.u32 s20, v2  }
0x79: {  	s22 =	sadd.s32 $0x60, s6;
	[tilespmem:s19+$0xFFFFFFB0] =	vst v3;
	v3 =	vnsel vm0, $0x0, v7;
	vm0 =	vlt.s32 v5, v1;
	v5 =	vor.u32 s21, v2  }
0x7a: {  	[tilespmem:s19+$0xFFFFFFC0] =	vst v3;
	v3 =	vnsel vm0, $0x0, v11;
	vm0 =	vlt.s32 v5, v1;
	v5 =	vor.u32 s22, v2  }
0x7b: {  	v2 =	vor.u32 s6, v2;
	[tilespmem:s19+$0xFFFFFFD0] =	vst v3;
	v3 =	vnsel vm0, $0x0, v6;
	vm0 =	vlt.s32 v5, v1  }
0x7c: {  	vm1 =	vlt.s32 v2, v1;
	[tilespmem:s19+$0xFFFFFFE0] =	vst v3;
	v2 =	vnsel vm0, $0x0, v8  }
0x7d: {  	v3 =	vnsel vm1, $0x0, v4;
	[tilespmem:s19+$0xFFFFFFF0] =	vst v2  }
0x7e: {  	s23 =	simm.s32 $0x1;
	[tilespmem:s19+$0xFFFFFF90] =	vst v3  }
0x7f: {  	_ =	swait.ge [sflag:s23], $0x400  }
0x80: {  	[sflag:s23] =	ssyncset.done $0x0  }
0x81: {  	s24 =	simm.s32 $0xC70;
	[sflag:s23] =	ssyncadd.s32 $0xFFFFFC00  }
0x82: {  	v3 =	vld [tilespmem:s24+$0x0]  }
0x83: {  	v4 =	vld [tilespmem:s24+$0xFFFFFFA0]  }
0x84: {  	s25 =	simm.s32 $0xC70;
	v2 =	vlaneseq.u32;
	v8 =	vld [tilespmem:s24+$0xFFFFFFB0]  }
0x85: {  	s26 =	simm.s32 $0xC10;
	v5 =	vor.u32 s25, v2;
	v9 =	vld [tilespmem:s24+$0xFFFFFFC0]  }
0x86: {  	s28 =	simm.s32 $0xC20;
	v6 =	vor.u32 s26, v2;
	vm0 =	vlt.s32 v5, v1;
	v7 =	vld [tilespmem:s24+$0xFFFFFFD0]  }
0x87: {  	s29 =	simm.s32 $0xC30;
	s7 =	simm.s32 $0x1C71;
	vm1 =	vlt.s32 v6, v1;
	v5 =	vor.u32 s28, v2;
	v6 =	vld [tilespmem:s24+$0xFFFFFFE0];
	v3 =	vnsel vm0, $0x0, v3  }
0x88: {  	s30 =	simm.s32 $0xC40;
	v10 =	vor.u32 s29, v2;
	v4 =	vnsel vm1, $0x0, v4;
	vm0 =	vlt.s32 v5, v1;
	v5 =	vld [tilespmem:s24+$0xFFFFFFF0];
	[tilespmem:s7+$0x0] =	vst v3  }
0x89: {  	s9 =	simm.s32 $0xC00;
	s31 =	simm.s32 $0xC50;
	s8 =	simm.s32 $0xCF0;
	v3 =	vld [tilespmem:s24+$0xFFFFFF90];
	[tilespmem:s7+$0xFFFFFFA0] =	vst v4;
	v8 =	vnsel vm0, $0x0, v8;
	vm0 =	vlt.s32 v10, v1;
	v10 =	vor.u32 s30, v2  }
0x8a: {  	s11 =	simm.s32 $0xC60;
	s10 =	simm.s32 $0xD00;
	s6 =	simm.s32 $0xC80;
	v4 =	vld [tilespmem:s8+$0x0];
	[tilespmem:s7+$0xFFFFFFB0] =	vst v8;
	v8 =	vnsel vm0, $0x0, v9;
	vm0 =	vlt.s32 v10, v1;
	v9 =	vor.u32 s31, v2  }
.LBB2_7:
0x8b: {  	p0 =	slt.u32 s10, $0xF80;
	v10 =	vld [tilespmem:s8+$0xFFFFFFA0];
	[tilespmem:s7+$0xFFFFFFC0] =	vst v8;
	v7 =	vnsel vm0, $0x0, v7;
	vm0 =	vlt.s32 v9, v1;
	v8 =	vor.u32 s11, v2  }
0x8c: {  	s11 =	sadd.s32 $0x70, s6;
	v11 =	vor.u32 s9, v2;
	s9 =	smov.u32 s6;
	s6 =	smov.u32 s10;
	v9 =	vld [tilespmem:s8+$0xFFFFFFB0];
	[tilespmem:s7+$0xFFFFFFD0] =	vst v7;
	v6 =	vnsel vm0, $0x0, v6;
	vm0 =	vlt.s32 v8, v1  }
0x8d: {  	s12 =	sadd.s32 $0x10, s9;
	v12 =	vor.u32 s11, v2;
	vm1 =	vlt.s32 v11, v1;
	v8 =	vld [tilespmem:s8+$0xFFFFFFC0];
	[tilespmem:s7+$0xFFFFFFE0] =	vst v6;
	v5 =	vnsel vm0, $0x0, v5  }
.Ltmp3:
0x8e: {  	s11 =	sadd.s32 $0x20, s9;
	v6 =	vor.u32 s12, v2;
	vm0 =	vlt.s32 v12, v1;
	v7 =	vld [tilespmem:s8+$0xFFFFFFD0];
	v3 =	vnsel vm1, $0x0, v3;
	[tilespmem:s7+$0xFFFFFFF0] =	vst v5;
	(pc) =	sbr.rel @p0 .LBB2_7-.Ltmp3, $4  }
0x8f: {  	vm1 =	vlt.s32 v6, v1;
	v5 =	vor.u32 s11, v2;
	s11 =	sadd.s32 $0x30, s9;
	v6 =	vld [tilespmem:s8+$0xFFFFFFE0];
	v4 =	vnsel vm0, $0x0, v4;
	[tilespmem:s7+$0xFFFFFF90] =	vst v3;
	s7 =	sadd.s32 $0x80, s7  }
0x90: {  	vm0 =	vlt.s32 v5, v1;
	v11 =	vor.u32 s11, v2;
	s11 =	sadd.s32 $0x40, s9;
	v10 =	vnsel vm1, $0x0, v10;
	v5 =	vld [tilespmem:s8+$0xFFFFFFF0];
	[tilespmem:s7+$0x0] =	vst v4  }
0x91: {  	v3 =	vld [tilespmem:s8+$0xFFFFFF90];
	[tilespmem:s7+$0xFFFFFFA0] =	vst v10;
	v9 =	vnsel vm0, $0x0, v9;
	vm0 =	vlt.s32 v11, v1;
	v10 =	vor.u32 s11, v2;
	s11 =	sadd.s32 $0x50, s9;
	s8 =	sadd.s32 $0x80, s8  }
0x92: {  	s10 =	sadd.s32 $0x80, s10;
	v4 =	vld [tilespmem:s8+$0x0];
	[tilespmem:s7+$0xFFFFFFB0] =	vst v9;
	v8 =	vnsel vm0, $0x0, v8;
	vm0 =	vlt.s32 v10, v1;
	v9 =	vor.u32 s11, v2;
	s11 =	sadd.s32 $0x60, s9  }
0x93: {  	v10 =	vld [tilespmem:s8+$0xFFFFFFA0];
	[tilespmem:s7+$0xFFFFFFC0] =	vst v8;
	v7 =	vnsel vm0, $0x0, v7;
	vm6 =	vlt.s32 v9, v1;
	v43 =	vor.u32 s11, v2  }
0x94: {  	v44 =	vld [tilespmem:s8+$0xFFFFFFB0];
	s10 =	sadd.s32 $0x70, s6;
	v11 =	vor.u32 s9, v2;
	[tilespmem:s7+$0xFFFFFFD0] =	vst v7;
	v6 =	vnsel vm6, $0x0, v6;
	vm7 =	vlt.s32 v43, v1  }
0x95: {  	s20 =	sadd.s32 $0x10, s6;
	v45 =	vld [tilespmem:s8+$0xFFFFFFC0];
	v46 =	vor.u32 s10, v2;
	vm1 =	vlt.s32 v11, v1;
	[tilespmem:s7+$0xFFFFFFE0] =	vst v6;
	v5 =	vnsel vm7, $0x0, v5  }
0x96: {  	s21 =	sadd.s32 $0x20, s6;
	v48 =	vld [tilespmem:s8+$0xFFFFFFD0];
	v47 =	vor.u32 s20, v2;
	vm8 =	vlt.s32 v46, v1;
	v3 =	vnsel vm1, $0x0, v3;
	[tilespmem:s7+$0xFFFFFFF0] =	vst v5  }
0x97: {  	s22 =	sadd.s32 $0x30, s6;
	v50 =	vld [tilespmem:s8+$0xFFFFFFE0];
	s23 =	sadd.s32 $0x80, s7;
	v49 =	vor.u32 s21, v2;
	vm9 =	vlt.s32 v47, v1;
	v4 =	vnsel vm8, $0x0, v4;
	[tilespmem:s7+$0xFFFFFF90] =	vst v3  }
0x98: {  	s24 =	sadd.s32 $0x40, s6;
	v53 =	vld [tilespmem:s8+$0xFFFFFFF0];
	v52 =	vor.u32 s22, v2;
	vm10 =	vlt.s32 v49, v1;
	v51 =	vnsel vm9, $0x0, v10;
	[tilespmem:s23+$0x0] =	vst v4  }
0x99: {  	v54 =	vld [tilespmem:s8+$0xFFFFFF90];
	s25 =	sadd.s32 $0x50, s6;
	v56 =	vor.u32 s24, v2;
	vm11 =	vlt.s32 v52, v1;
	v55 =	vnsel vm10, $0x0, v44;
	[tilespmem:s23+$0xFFFFFFA0] =	vst v51  }
0x9a: {  	s26 =	sadd.s32 $0x60, s6;
	v58 =	vor.u32 s25, v2;
	vm12 =	vlt.s32 v56, v1;
	v57 =	vnsel vm11, $0x0, v45;
	[tilespmem:s23+$0xFFFFFFB0] =	vst v55  }
0x9b: {  	s5 =	smul.u32 $0x8400, s5;
	v60 =	vor.u32 s26, v2;
	vm13 =	vlt.s32 v58, v1;
	v59 =	vnsel vm12, $0x0, v48;
	[tilespmem:s23+$0xFFFFFFC0] =	vst v57  }
0x9c: {  	v61 =	vor.u32 s6, v2;
	vm14 =	vlt.s32 v60, v1;
	v62 =	vnsel vm13, $0x0, v50;
	[tilespmem:s23+$0xFFFFFFD0] =	vst v59  }
0x9d: {  	vm15 =	vlt.s32 v61, v1;
	s4 =	sor.u32 s4, s5;
	v63 =	vnsel vm14, $0x0, v53;
	[tilespmem:s23+$0xFFFFFFE0] =	vst v62  }
0x9e: {  	s28 =	simm.s32 $0x80;
	s29 =	simm.s32 $0x400;
	s4 =	sshrl.u32 s4, $0x3;
	v2 =	vnsel vm15, $0x0, v54;
	[tilespmem:s23+$0xFFFFFFF0] =	vst v63  }
0x9f: {  	s30 =	simm.s32 $0x1000;
	s31 =	simm.s32 $0x2;
	s3 =	sadd.s32 s3, s4;
	[tilespmem:s23+$0xFFFFFF90] =	vst v2  }
0xa0: {  	[hbm4b:s3+s28] =	stream.strided.scatter [tilespmem:s30], [sflag:$0x2], $0x1080, s29, s28, $0x38;
	[tilespmem:$0x2180] =	vst v63  }
0xa1: {  	_ =	swait.ge [sflag:s31], $0x1080  }
0xa2: {  	[sflag:s31] =	ssyncset.done $0x0  }
0xa3: {  	p0 =	sne.s32 s2, $0x0;
	[sflag:s31] =	ssyncadd.s32 $0xFFFFEF80  }
0xa4: {  	_ =	sfence.sel @p0 $0x180000  }
0xa5: {  	[bflag:$0x0] =	sbarrier.arrive @p0 $0xFFFF  }
0xa6: {  	_ =	strace @p0 $0x90000047  }
0xa7: {  	v0 =	vadd.s32 @!p0 $0x1, v0;
	[bflag:$0x2] =	sbarrier.arrive @p0 $0xFFFF  }
0xa8: {  	s2 =	simm.s32 @!p0 $0x0;
	s3 =	simm.s32 @!p0 $0x2100;
	[tilespmem:$0x2100] =	vst @!p0 v0  }
0xa9: {  	[hbm4b:s1+s2] =	stream.linear.scatter @!p0 [tilespmem:s3], [sflag:$0x2], $0x80, $0x38;
	[tilespmem:$0x2180] =	vst v63  }
0xaa: {  	s1 =	simm.s32 @!p0 $0x2  }
0xab: {  	_ =	swait.ge @!p0 [sflag:s1], $0x80  }
0xac: {  	[sflag:s1] =	ssyncset.done @!p0 $0x0  }
0xad: {  	[sflag:s1] =	ssyncadd.s32 @!p0 $0xFFFFFF80  }
0xae: {  	_ =	sfence.sel @!p0 $0x180000  }
0xaf: {  	[bflag:$0x0] =	sbarrier.arrive @!p0 $0xFFFF  }
0xb0: {  	_ =	strace @!p0 $0x90000047  }
0xb1: {  	s0 =	sadd.s32 @!p0 $0x100000, s0;
	[bflag:$0x2] =	sbarrier.arrive @!p0 $0xFFFF  }
0xb2: {  	[sflag:s0] =	ssyncadd.tile.s32 @!p0 $0x1;
	_ =	shalt  }
.Lfunc_end2:
_tile_overlayer_lowered:
.L_overlay_start_2:
0xb3: {  	(tag) =	ssettag $0x2  }
0xb4: {  	s0 =	rddreg [dreg:$0x0];
	s2 =	stileid.u32  }
0xb5: {  	s1 =	rddreg [dreg:$0x1];
	p0 =	sne.s32 s2, $0x0  }
0xb6: {  	s3 =	rddreg [dreg:$0x2];
	[bflag:$0x3] =	sbarrier.arrive $0xFFFF;
	s2 =	simm.s32 @!p0 $0x1C02  }
0xb7: {  	[timem:s3], [sflag:s2] =	dma.local @!p0 [hbm:s0], s1  }
0xb8: {  	s0 =	simm.s32 @!p0 $0x2  }
0xb9: {  	_ =	swait.ge @!p0 [sflag:s0], s1  }
0xba: {  	s1 =	ssub.s32 @!p0 $0x0, s1;
	[sflag:s0] =	ssyncset.done @!p0 $0x0  }
0xbb: {  	[sflag:s0] =	ssyncadd.s32 @!p0 s1  }
0xbc: {  	[bflag:$0x3] =	sbarrier.arrive $0xFFFF  }
0xbd: {  	_ =	shalt  }

</sc_bundles>
